<compile_context>
chip_gen: v7x
topology: tpu7x:2x2x1
jax: 0.10.2.dev20260603
libtpu: 0.0.44.dev20260713+nightly
codegen_flags: <defaults>
</compile_context>

<pallas_src>
import functools

import jax
import jax.numpy as jnp
from jax.experimental import pallas as pl
from jax.experimental.pallas import tpu as pltpu
from jax.experimental.pallas import tpu_sc as plsc

_NEIGHBOR_K = 3
_SELECT_RATIO = 0.02
_BN = 896
_LANE = 128


def _make_sim_kernel(m_logical):
    n_chunks = -(-m_logical // _LANE)
    rem = m_logical - (n_chunks - 1) * _LANE

    def _sim_kernel(u_ref, v_ref, out_ref):
        u = u_ref[:, :]
        v = v_ref[0]
        s = jnp.dot(u, v, preferred_element_type=jnp.float32)

        def chunk(i):
            c = s[:, i * _LANE:(i + 1) * _LANE]
            if i == n_chunks - 1 and rem != _LANE:
                lane = jax.lax.broadcasted_iota(jnp.int32, c.shape, 1)
                c = jnp.where(lane < rem, c, -jnp.inf)
            return c

        c0, c1, c2 = chunk(0), chunk(1), chunk(2)
        p, q = jnp.maximum(c0, c1), jnp.minimum(c0, c1)
        r, a3 = jnp.maximum(q, c2), jnp.minimum(q, c2)
        a1, a2 = jnp.maximum(p, r), jnp.minimum(p, r)
        for i in range(3, n_chunks):
            c = chunk(i)
            hi, lo = jnp.maximum(a1, c), jnp.minimum(a1, c)
            a1 = hi
            hi2, lo2 = jnp.maximum(a2, lo), jnp.minimum(a2, lo)
            a2 = hi2
            a3 = jnp.maximum(a3, lo2)
        col = jax.lax.broadcasted_iota(jnp.int32, a1.shape, 1)
        total = jnp.zeros((a1.shape[0], 1), jnp.float32)
        for _ in range(_NEIGHBOR_K):
            m = jnp.max(a1, axis=1, keepdims=True)
            total = total + m
            idx = jnp.min(jnp.where(a1 == m, col, _LANE), axis=1, keepdims=True)
            hit = col == idx
            a1 = jnp.where(hit, a2, a1)
            a2 = jnp.where(hit, a3, a2)
            a3 = jnp.where(hit, -jnp.inf, a3)
        out_ref[:, :] = total

    return _sim_kernel


def _compute_sims(un, vn, m_logical):
    k_cls, c, m_pad = vn.shape
    n = un.shape[0]
    nt = n // _BN
    out = pl.pallas_call(
        _make_sim_kernel(m_logical),
        grid=(k_cls, nt),
        in_specs=[
            pl.BlockSpec((_BN, c), lambda j, t: (t, 0)),
            pl.BlockSpec((1, c, m_pad), lambda j, t: (j, 0, 0)),
        ],
        out_specs=pl.BlockSpec((_BN, 1), lambda j, t: (j * nt + t, 0)),
        out_shape=jax.ShapeDtypeStruct((k_cls * n, 1), jnp.float32),
    )(un, vn)
    return out.reshape(k_cls, n)


def _sc_gather_rows(table, idx):
    info = plsc.get_sparse_core_info()
    nw = info.num_cores * info.num_subcores
    b = idx.shape[0]
    b_per_w = b // nw
    mesh = plsc.VectorSubcoreMesh(core_axis_name="c", subcore_axis_name="s")

    @functools.partial(
        pl.kernel,
        mesh=mesh,
        out_type=jax.ShapeDtypeStruct((b, table.shape[1]), jnp.float32),
        scratch_types=[
            pltpu.VMEM((b_per_w,), jnp.int32),
            pltpu.VMEM((b_per_w, table.shape[1]), jnp.float32),
            pltpu.SemaphoreType.DMA,
        ],
        compiler_params=pltpu.CompilerParams(use_tc_tiling_on_sc=False),
    )
    def gather_kernel(table_hbm, idx_hbm, out_hbm, idx_v, rows_v, sem):
        wid = jax.lax.axis_index("s") * info.num_cores + jax.lax.axis_index("c")
        base = wid * b_per_w
        pltpu.sync_copy(idx_hbm.at[pl.ds(base, b_per_w)], idx_v)
        pltpu.async_copy(table_hbm.at[idx_v], rows_v, sem).wait()
        pltpu.sync_copy(rows_v, out_hbm.at[pl.ds(base, b_per_w)])

    return gather_kernel(table, idx)


def kernel(x1, x2):
    b, c, h, w = x1.shape
    n = b * h * w
    raw = jnp.transpose(x1, (1, 0, 2, 3)).reshape(c, -1)
    un = raw.T
    un = un / jnp.linalg.norm(un, ord=2, axis=1, keepdims=True)
    vn = jnp.stack(
        [
            x2[j] / jnp.linalg.norm(x2[j], ord=2, axis=0, keepdims=True)
            for j in range(x2.shape[0])
        ]
    )
    m = vn.shape[2]
    m_pad = (-(-m // _LANE)) * _LANE
    vnb = jnp.pad(vn.astype(jnp.bfloat16), ((0, 0), (0, 0), (0, m_pad - m)))
    sims = _compute_sims(un.astype(jnp.bfloat16), vnb, m)
    select_num = int(n * _SELECT_RATIO)
    _, sel = jax.lax.top_k(sims, select_num)
    k_cls = x2.shape[0]
    n_sel = k_cls * select_num
    b_pad = -(-n_sel // 256) * 256
    idx = jnp.zeros((b_pad,), jnp.int32).at[:n_sel].set(
        sel.reshape(n_sel).astype(jnp.int32)
    )
    rows = _sc_gather_rows(raw.T, idx)
    g = jnp.transpose(
        rows[:n_sel].reshape(k_cls, select_num, c), (0, 2, 1)
    )
    return jnp.concatenate([x2, g], axis=2)

# --- scband reference (transcript-rebuilt; emitter-appended) ---
"""Pipeline reference for scband-support-aug-31937376813210 (READ-ONLY COPY).

The authoritative reference and input builder live on the scoring server;
editing this copy changes nothing except your own understanding.
"""

import jax, jax.numpy as jnp
import numpy as np

NEIGHBOR_K = 3
SELECT_RATIO = 0.02


def setup_inputs(seed: int = 0) -> dict:
    key = jax.random.key(seed)
    k1, k2 = jax.random.split(key)
    x1 = jax.random.normal(k1, (64, 64, 14, 14), dtype=jnp.float32)
    x2 = jax.random.normal(k2, (5, 64, 2205), dtype=jnp.float32)
    return {"x1": x1, "x2": x2}


def reference(x1, x2):
    # x1: [B, C, h, w] unlabeled feature maps
    # x2: [K, C, M] stack of per-class support banks (original torch code uses a
    #     Python list of [C, M] tensors; all outputs share the same augmented
    #     width, so we represent the list as a stacked array)
    B, C, h, w = x1.shape
    unlabel_sam_raw = jnp.transpose(x1, (1, 0, 2, 3)).reshape(C, -1)  # [C, N]
    unlabel_sam = unlabel_sam_raw.T  # [N, C]
    unlabel_sam_norm = jnp.linalg.norm(unlabel_sam, ord=2, axis=1, keepdims=True)
    unlabel_sam = unlabel_sam / unlabel_sam_norm
    outs = []
    for j in range(x2.shape[0]):
        support_set_sam = x2[j]  # [C, M]
        support_set_sam_norm = jnp.linalg.norm(support_set_sam, ord=2, axis=0, keepdims=True)
        support_set_sam_n = support_set_sam / support_set_sam_norm
        innerproduct_matrix = unlabel_sam @ support_set_sam_n  # [N, M]
        topk_value, topk_index = jax.lax.top_k(innerproduct_matrix, NEIGHBOR_K)  # [N, k]
        patch_to_class_sim = jnp.sum(topk_value, axis=1)  # [N]
        select_num = int(patch_to_class_sim.shape[0] * SELECT_RATIO)
        _, select_index = jax.lax.top_k(patch_to_class_sim, select_num)  # [select_num]
        augmented = jnp.concatenate(
            (x2[j], jnp.take(unlabel_sam_raw, select_index, axis=1)), axis=1
        )  # [C, M + select_num]
        outs.append(augmented)
    return jnp.stack(outs, axis=0)  # [K, C, M + select_num]

if __name__ == "__main__":
    import jax
    _d = setup_inputs()
    print(jax.jit(kernel)(*tuple(_d.values())))

</pallas_src>

<mosaic_0001>
#map = affine_map<(d0, d1) -> (0, 0)>
#map1 = affine_map<(d0, d1) -> (0)>
module attributes {stable_mosaic.version = 14 : i64} {
  func.func @gather_kernel(%arg0: i32, %arg1: i32, %arg2: memref<12544x64xf32, #tpu.memory_space<hbm>>, %arg3: memref<1280xi32, #tpu.memory_space<hbm>>, %arg4: memref<1280x64xf32, #tpu.memory_space<hbm>>, %arg5: memref<40xi32, #tpu.memory_space<vmem>>, %arg6: memref<40x64xf32, #tpu.memory_space<vmem>>, %arg7: memref<!tpu.dma_semaphore, #tpu.memory_space<semaphore_mem>>) attributes {dimension_semantics = [#tpu.dimension_semantics<core_parallel>, #tpu.dimension_semantics<subcore_parallel>], iteration_bounds = array<i64: 2, 16>, scalar_prefetch = 0 : i64, scratch_operands = 3 : i64, tpu.core_type = #tpu.core_type<sc_vector_subcore>, window_params = [{transform_indices = #map}, {transform_indices = #map1}, {transform_indices = #map}]} {
    %mul3A = arith.constant 2 : i32
    %mul3A_0 = arith.muli %arg1, %mul3A : i32
    %add3A = arith.addi %mul3A_0, %arg0 : i32
    %mul3A_1 = arith.constant 40 : i32
    %mul3A_2 = arith.muli %add3A, %mul3A_1 : i32
    "tpu.region"() ({
      %run_scoped3A = tpu.sem_alloc : memref<!tpu.dma_semaphore, #tpu.memory_space<semaphore_mem>>
      %dma_start3A_7 = tpu.memref_slice %arg3[%mul3A_2] : memref<1280xi32, #tpu.memory_space<hbm>> -> memref<40xi32, #tpu.memory_space<hbm>>
      %dma_start3A_8 = tpu.memref_slice %arg3[%mul3A_2] : memref<1280xi32, #tpu.memory_space<hbm>> -> memref<40xi32, #tpu.memory_space<hbm>>
      tpu.enqueue_dma source(%dma_start3A_8 : memref<40xi32, #tpu.memory_space<hbm>>) target(%arg5 : memref<40xi32, #tpu.memory_space<vmem>>) target_semaphore(%run_scoped3A : memref<!tpu.dma_semaphore, #tpu.memory_space<semaphore_mem>>)
      %dma_wait3A_9 = tpu.memref_slice %arg3[%mul3A_2] : memref<1280xi32, #tpu.memory_space<hbm>> -> memref<40xi32, #tpu.memory_space<hbm>>
      %dma_wait3A_10 = tpu.memref_slice %arg3[%mul3A_2] : memref<1280xi32, #tpu.memory_space<hbm>> -> memref<40xi32, #tpu.memory_space<hbm>>
      tpu.wait_dma2 semaphore(%run_scoped3A : memref<!tpu.dma_semaphore, #tpu.memory_space<semaphore_mem>>) src(%dma_wait3A_10 : memref<40xi32, #tpu.memory_space<hbm>>) dst(%arg5 : memref<40xi32, #tpu.memory_space<vmem>>)
      tpu.yield
    }) : () -> ()
    %dma_start3A = arith.constant 0 : i32
    %dma_start3A_3 = arith.constant 0 : i32
    %dma_start3A_4 = tpu.memref_slice %arg2[%dma_start3A, %dma_start3A_3] : memref<12544x64xf32, #tpu.memory_space<hbm>> -> memref<12544x64xf32, #tpu.memory_space<hbm>>
    tpu.enqueue_indirect_dma source(%dma_start3A_4 : memref<12544x64xf32, #tpu.memory_space<hbm>>) target(%arg6 : memref<40x64xf32, #tpu.memory_space<vmem>>) offsets(%arg5 : memref<40xi32, #tpu.memory_space<vmem>>) semaphore(%arg7 : memref<!tpu.dma_semaphore, #tpu.memory_space<semaphore_mem>>)
    %dma_wait3A = arith.constant 0 : i32
    %dma_wait3A_5 = arith.constant 0 : i32
    %dma_wait3A_6 = tpu.memref_slice %arg2[%dma_wait3A, %dma_wait3A_5] : memref<12544x64xf32, #tpu.memory_space<hbm>> -> memref<12544x64xf32, #tpu.memory_space<hbm>>
    tpu.wait_indirect_dma semaphore(%arg7 : memref<!tpu.dma_semaphore, #tpu.memory_space<semaphore_mem>>) src(%dma_wait3A_6 : memref<12544x64xf32, #tpu.memory_space<hbm>>) dst(%arg6 : memref<40x64xf32, #tpu.memory_space<vmem>>)
    "tpu.region"() ({
      %run_scoped3A = tpu.sem_alloc : memref<!tpu.dma_semaphore, #tpu.memory_space<semaphore_mem>>
      %dma_start3A_7 = arith.constant 0 : i32
      %dma_start3A_8 = tpu.memref_slice %arg4[%mul3A_2, %dma_start3A_7] : memref<1280x64xf32, #tpu.memory_space<hbm>> -> memref<40x64xf32, #tpu.memory_space<hbm>>
      %dma_start3A_9 = arith.constant 0 : i32
      %dma_start3A_10 = tpu.memref_slice %arg4[%mul3A_2, %dma_start3A_9] : memref<1280x64xf32, #tpu.memory_space<hbm>> -> memref<40x64xf32, #tpu.memory_space<hbm>>
      tpu.enqueue_dma source(%arg6 : memref<40x64xf32, #tpu.memory_space<vmem>>) target(%dma_start3A_10 : memref<40x64xf32, #tpu.memory_space<hbm>>) target_semaphore(%run_scoped3A : memref<!tpu.dma_semaphore, #tpu.memory_space<semaphore_mem>>)
      %dma_wait3A_11 = arith.constant 0 : i32
      %dma_wait3A_12 = tpu.memref_slice %arg4[%mul3A_2, %dma_wait3A_11] : memref<1280x64xf32, #tpu.memory_space<hbm>> -> memref<40x64xf32, #tpu.memory_space<hbm>>
      %dma_wait3A_13 = arith.constant 0 : i32
      %dma_wait3A_14 = tpu.memref_slice %arg4[%mul3A_2, %dma_wait3A_13] : memref<1280x64xf32, #tpu.memory_space<hbm>> -> memref<40x64xf32, #tpu.memory_space<hbm>>
      tpu.wait_dma2 semaphore(%run_scoped3A : memref<!tpu.dma_semaphore, #tpu.memory_space<semaphore_mem>>) src(%arg6 : memref<40x64xf32, #tpu.memory_space<vmem>>) dst(%dma_wait3A_14 : memref<40x64xf32, #tpu.memory_space<hbm>>)
      tpu.yield
    }) : () -> ()
    return
  }
}

module attributes {stable_mosaic.version = 14 : i64} {
  func.func @_sim_kernel(%arg0: i32, %arg1: i32, %arg2: memref<896x64xbf16, #tpu.memory_space<vmem>>, %arg3: memref<1x64x2304xbf16, #tpu.memory_space<vmem>>, %arg4: memref<896x1xf32, #tpu.memory_space<vmem>>) attributes {dimension_semantics = [#tpu.dimension_semantics<arbitrary>, #tpu.dimension_semantics<arbitrary>], iteration_bounds = array<i64: 5, 14>, scalar_prefetch = 0 : i64, scratch_operands = 0 : i64, tpu.core_type = #tpu.core_type<tc>, window_params = [{transform_indices = @transform_0, window_bounds = array<i64: 896, 64>}, {transform_indices = @transform_1, window_bounds = array<i64: 1, 64, 2304>}, {transform_indices = @transform_2, window_bounds = array<i64: 896, 1>}]} {
    %get3A = arith.constant 0 : index
    %get3A_0 = arith.constant 0 : index
    %get3A_1 = vector.load %arg2[%get3A, %get3A_0] : memref<896x64xbf16, #tpu.memory_space<vmem>>, vector<896x64xbf16>
    %get3A_2 = arith.constant 0 : index
    %get3A_3 = arith.constant 0 : index
    %get3A_4 = arith.constant 0 : index
    %get3A_5 = vector.load %arg3[%get3A_2, %get3A_3, %get3A_4] : memref<1x64x2304xbf16, #tpu.memory_space<vmem>>, vector<1x64x2304xbf16>
    %get3A_6 = vector.shape_cast %get3A_5 : vector<1x64x2304xbf16> to vector<64x2304xbf16>
    %dot_general3A = arith.constant dense<0.000000e+00> : vector<896x2304xf32>
    %dot_general3A_7 = tpu.matmul %get3A_1, %get3A_6, %dot_general3A {dimension_numbers = #tpu.dot_dimension_numbers<[1], [0], [0], [1], [0, 0, 1, 1], [], []>, transpose_lhs_hint = false} : vector<896x64xbf16>, vector<64x2304xbf16>, vector<896x2304xf32> -> vector<896x2304xf32>
    %slice3A = vector.extract_strided_slice %dot_general3A_7 {offsets = [0, 0], sizes = [896, 128], strides = [1, 1]} : vector<896x2304xf32> to vector<896x128xf32>
    %slice3A_8 = vector.extract_strided_slice %dot_general3A_7 {offsets = [0, 128], sizes = [896, 128], strides = [1, 1]} : vector<896x2304xf32> to vector<896x128xf32>
    %slice3A_9 = vector.extract_strided_slice %dot_general3A_7 {offsets = [0, 256], sizes = [896, 128], strides = [1, 1]} : vector<896x2304xf32> to vector<896x128xf32>
    %max3A = arith.maximumf %slice3A, %slice3A_8 : vector<896x128xf32>
    %min3A = arith.minimumf %slice3A, %slice3A_8 : vector<896x128xf32>
    %max3A_10 = arith.maximumf %min3A, %slice3A_9 : vector<896x128xf32>
    %min3A_11 = arith.minimumf %min3A, %slice3A_9 : vector<896x128xf32>
    %max3A_12 = arith.maximumf %max3A, %max3A_10 : vector<896x128xf32>
    %min3A_13 = arith.minimumf %max3A, %max3A_10 : vector<896x128xf32>
    %slice3A_14 = vector.extract_strided_slice %dot_general3A_7 {offsets = [0, 384], sizes = [896, 128], strides = [1, 1]} : vector<896x2304xf32> to vector<896x128xf32>
    %max3A_15 = arith.maximumf %max3A_12, %slice3A_14 : vector<896x128xf32>
    %min3A_16 = arith.minimumf %max3A_12, %slice3A_14 : vector<896x128xf32>
    %max3A_17 = arith.maximumf %min3A_13, %min3A_16 : vector<896x128xf32>
    %min3A_18 = arith.minimumf %min3A_13, %min3A_16 : vector<896x128xf32>
    %max3A_19 = arith.maximumf %min3A_11, %min3A_18 : vector<896x128xf32>
    %slice3A_20 = vector.extract_strided_slice %dot_general3A_7 {offsets = [0, 512], sizes = [896, 128], strides = [1, 1]} : vector<896x2304xf32> to vector<896x128xf32>
    %max3A_21 = arith.maximumf %max3A_15, %slice3A_20 : vector<896x128xf32>
    %min3A_22 = arith.minimumf %max3A_15, %slice3A_20 : vector<896x128xf32>
    %max3A_23 = arith.maximumf %max3A_17, %min3A_22 : vector<896x128xf32>
    %min3A_24 = arith.minimumf %max3A_17, %min3A_22 : vector<896x128xf32>
    %max3A_25 = arith.maximumf %max3A_19, %min3A_24 : vector<896x128xf32>
    %slice3A_26 = vector.extract_strided_slice %dot_general3A_7 {offsets = [0, 640], sizes = [896, 128], strides = [1, 1]} : vector<896x2304xf32> to vector<896x128xf32>
    %max3A_27 = arith.maximumf %max3A_21, %slice3A_26 : vector<896x128xf32>
    %min3A_28 = arith.minimumf %max3A_21, %slice3A_26 : vector<896x128xf32>
    %max3A_29 = arith.maximumf %max3A_23, %min3A_28 : vector<896x128xf32>
    %min3A_30 = arith.minimumf %max3A_23, %min3A_28 : vector<896x128xf32>
    %max3A_31 = arith.maximumf %max3A_25, %min3A_30 : vector<896x128xf32>
    %slice3A_32 = vector.extract_strided_slice %dot_general3A_7 {offsets = [0, 768], sizes = [896, 128], strides = [1, 1]} : vector<896x2304xf32> to vector<896x128xf32>
    %max3A_33 = arith.maximumf %max3A_27, %slice3A_32 : vector<896x128xf32>
    %min3A_34 = arith.minimumf %max3A_27, %slice3A_32 : vector<896x128xf32>
    %max3A_35 = arith.maximumf %max3A_29, %min3A_34 : vector<896x128xf32>
    %min3A_36 = arith.minimumf %max3A_29, %min3A_34 : vector<896x128xf32>
    %max3A_37 = arith.maximumf %max3A_31, %min3A_36 : vector<896x128xf32>
    %slice3A_38 = vector.extract_strided_slice %dot_general3A_7 {offsets = [0, 896], sizes = [896, 128], strides = [1, 1]} : vector<896x2304xf32> to vector<896x128xf32>
    %max3A_39 = arith.maximumf %max3A_33, %slice3A_38 : vector<896x128xf32>
    %min3A_40 = arith.minimumf %max3A_33, %slice3A_38 : vector<896x128xf32>
    %max3A_41 = arith.maximumf %max3A_35, %min3A_40 : vector<896x128xf32>
    %min3A_42 = arith.minimumf %max3A_35, %min3A_40 : vector<896x128xf32>
    %max3A_43 = arith.maximumf %max3A_37, %min3A_42 : vector<896x128xf32>
    %slice3A_44 = vector.extract_strided_slice %dot_general3A_7 {offsets = [0, 1024], sizes = [896, 128], strides = [1, 1]} : vector<896x2304xf32> to vector<896x128xf32>
    %max3A_45 = arith.maximumf %max3A_39, %slice3A_44 : vector<896x128xf32>
    %min3A_46 = arith.minimumf %max3A_39, %slice3A_44 : vector<896x128xf32>
    %max3A_47 = arith.maximumf %max3A_41, %min3A_46 : vector<896x128xf32>
    %min3A_48 = arith.minimumf %max3A_41, %min3A_46 : vector<896x128xf32>
    %max3A_49 = arith.maximumf %max3A_43, %min3A_48 : vector<896x128xf32>
    %slice3A_50 = vector.extract_strided_slice %dot_general3A_7 {offsets = [0, 1152], sizes = [896, 128], strides = [1, 1]} : vector<896x2304xf32> to vector<896x128xf32>
    %max3A_51 = arith.maximumf %max3A_45, %slice3A_50 : vector<896x128xf32>
    %min3A_52 = arith.minimumf %max3A_45, %slice3A_50 : vector<896x128xf32>
    %max3A_53 = arith.maximumf %max3A_47, %min3A_52 : vector<896x128xf32>
    %min3A_54 = arith.minimumf %max3A_47, %min3A_52 : vector<896x128xf32>
    %max3A_55 = arith.maximumf %max3A_49, %min3A_54 : vector<896x128xf32>
    %slice3A_56 = vector.extract_strided_slice %dot_general3A_7 {offsets = [0, 1280], sizes = [896, 128], strides = [1, 1]} : vector<896x2304xf32> to vector<896x128xf32>
    %max3A_57 = arith.maximumf %max3A_51, %slice3A_56 : vector<896x128xf32>
    %min3A_58 = arith.minimumf %max3A_51, %slice3A_56 : vector<896x128xf32>
    %max3A_59 = arith.maximumf %max3A_53, %min3A_58 : vector<896x128xf32>
    %min3A_60 = arith.minimumf %max3A_53, %min3A_58 : vector<896x128xf32>
    %max3A_61 = arith.maximumf %max3A_55, %min3A_60 : vector<896x128xf32>
    %slice3A_62 = vector.extract_strided_slice %dot_general3A_7 {offsets = [0, 1408], sizes = [896, 128], strides = [1, 1]} : vector<896x2304xf32> to vector<896x128xf32>
    %max3A_63 = arith.maximumf %max3A_57, %slice3A_62 : vector<896x128xf32>
    %min3A_64 = arith.minimumf %max3A_57, %slice3A_62 : vector<896x128xf32>
    %max3A_65 = arith.maximumf %max3A_59, %min3A_64 : vector<896x128xf32>
    %min3A_66 = arith.minimumf %max3A_59, %min3A_64 : vector<896x128xf32>
    %max3A_67 = arith.maximumf %max3A_61, %min3A_66 : vector<896x128xf32>
    %slice3A_68 = vector.extract_strided_slice %dot_general3A_7 {offsets = [0, 1536], sizes = [896, 128], strides = [1, 1]} : vector<896x2304xf32> to vector<896x128xf32>
    %max3A_69 = arith.maximumf %max3A_63, %slice3A_68 : vector<896x128xf32>
    %min3A_70 = arith.minimumf %max3A_63, %slice3A_68 : vector<896x128xf32>
    %max3A_71 = arith.maximumf %max3A_65, %min3A_70 : vector<896x128xf32>
    %min3A_72 = arith.minimumf %max3A_65, %min3A_70 : vector<896x128xf32>
    %max3A_73 = arith.maximumf %max3A_67, %min3A_72 : vector<896x128xf32>
    %slice3A_74 = vector.extract_strided_slice %dot_general3A_7 {offsets = [0, 1664], sizes = [896, 128], strides = [1, 1]} : vector<896x2304xf32> to vector<896x128xf32>
    %max3A_75 = arith.maximumf %max3A_69, %slice3A_74 : vector<896x128xf32>
    %min3A_76 = arith.minimumf %max3A_69, %slice3A_74 : vector<896x128xf32>
    %max3A_77 = arith.maximumf %max3A_71, %min3A_76 : vector<896x128xf32>
    %min3A_78 = arith.minimumf %max3A_71, %min3A_76 : vector<896x128xf32>
    %max3A_79 = arith.maximumf %max3A_73, %min3A_78 : vector<896x128xf32>
    %slice3A_80 = vector.extract_strided_slice %dot_general3A_7 {offsets = [0, 1792], sizes = [896, 128], strides = [1, 1]} : vector<896x2304xf32> to vector<896x128xf32>
    %max3A_81 = arith.maximumf %max3A_75, %slice3A_80 : vector<896x128xf32>
    %min3A_82 = arith.minimumf %max3A_75, %slice3A_80 : vector<896x128xf32>
    %max3A_83 = arith.maximumf %max3A_77, %min3A_82 : vector<896x128xf32>
    %min3A_84 = arith.minimumf %max3A_77, %min3A_82 : vector<896x128xf32>
    %max3A_85 = arith.maximumf %max3A_79, %min3A_84 : vector<896x128xf32>
    %slice3A_86 = vector.extract_strided_slice %dot_general3A_7 {offsets = [0, 1920], sizes = [896, 128], strides = [1, 1]} : vector<896x2304xf32> to vector<896x128xf32>
    %max3A_87 = arith.maximumf %max3A_81, %slice3A_86 : vector<896x128xf32>
    %min3A_88 = arith.minimumf %max3A_81, %slice3A_86 : vector<896x128xf32>
    %max3A_89 = arith.maximumf %max3A_83, %min3A_88 : vector<896x128xf32>
    %min3A_90 = arith.minimumf %max3A_83, %min3A_88 : vector<896x128xf32>
    %max3A_91 = arith.maximumf %max3A_85, %min3A_90 : vector<896x128xf32>
    %slice3A_92 = vector.extract_strided_slice %dot_general3A_7 {offsets = [0, 2048], sizes = [896, 128], strides = [1, 1]} : vector<896x2304xf32> to vector<896x128xf32>
    %max3A_93 = arith.maximumf %max3A_87, %slice3A_92 : vector<896x128xf32>
    %min3A_94 = arith.minimumf %max3A_87, %slice3A_92 : vector<896x128xf32>
    %max3A_95 = arith.maximumf %max3A_89, %min3A_94 : vector<896x128xf32>
    %min3A_96 = arith.minimumf %max3A_89, %min3A_94 : vector<896x128xf32>
    %max3A_97 = arith.maximumf %max3A_91, %min3A_96 : vector<896x128xf32>
    %slice3A_98 = vector.extract_strided_slice %dot_general3A_7 {offsets = [0, 2176], sizes = [896, 128], strides = [1, 1]} : vector<896x2304xf32> to vector<896x128xf32>
    %iota3A = tpu.iota {dimensions = array<i32: 1>} : vector<896x128xi32>
    %lt3A = arith.constant 29 : i32
    %lt3A_99 = vector.broadcast %lt3A : i32 to vector<896x128xi32>
    %lt3A_100 = arith.cmpi slt, %iota3A, %lt3A_99 : vector<896x128xi32>
    %jit3A = arith.constant 0xFF800000 : f32
    %broadcast_in_dim3A = vector.broadcast %jit3A : f32 to vector<896x128xf32>
    %select_n3A = arith.select %lt3A_100, %slice3A_98, %broadcast_in_dim3A : vector<896x128xi1>, vector<896x128xf32>
    %max3A_101 = arith.maximumf %max3A_93, %select_n3A : vector<896x128xf32>
    %min3A_102 = arith.minimumf %max3A_93, %select_n3A : vector<896x128xf32>
    %max3A_103 = arith.maximumf %max3A_95, %min3A_102 : vector<896x128xf32>
    %min3A_104 = arith.minimumf %max3A_95, %min3A_102 : vector<896x128xf32>
    %max3A_105 = arith.maximumf %max3A_97, %min3A_104 : vector<896x128xf32>
    %iota3A_106 = tpu.iota {dimensions = array<i32: 1>} : vector<896x128xi32>
    %broadcast_in_dim3A_107 = arith.constant 0.000000e+00 : f32
    %broadcast_in_dim3A_108 = vector.broadcast %broadcast_in_dim3A_107 : f32 to vector<896x1xf32>
    %reduce_max3A = arith.constant dense<0xFF800000> : vector<896xf32>
    %reduce_max3A_109 = vector.multi_reduction <maximumf>, %max3A_101, %reduce_max3A [1] : vector<896x128xf32> to vector<896xf32>
    %broadcast_in_dim3A_110 = vector.shape_cast %reduce_max3A_109 : vector<896xf32> to vector<896x1xf32>
    %add3A = arith.addf %broadcast_in_dim3A_108, %broadcast_in_dim3A_110 : vector<896x1xf32>
    %eq3A = vector.broadcast %broadcast_in_dim3A_110 : vector<896x1xf32> to vector<896x128xf32>
    %eq3A_111 = arith.cmpf oeq, %max3A_101, %eq3A : vector<896x128xf32>
    %jit3A_112 = arith.constant 128 : i32
    %broadcast_in_dim3A_113 = vector.broadcast %jit3A_112 : i32 to vector<896x128xi32>
    %select_n3A_114 = arith.select %eq3A_111, %iota3A_106, %broadcast_in_dim3A_113 : vector<896x128xi1>, vector<896x128xi32>
    %reduce_min3A = arith.constant dense<2147483647> : vector<896xi32>
    %reduce_min3A_115 = vector.multi_reduction <minsi>, %select_n3A_114, %reduce_min3A [1] : vector<896x128xi32> to vector<896xi32>
    %broadcast_in_dim3A_116 = vector.shape_cast %reduce_min3A_115 : vector<896xi32> to vector<896x1xi32>
    %eq3A_117 = vector.broadcast %broadcast_in_dim3A_116 : vector<896x1xi32> to vector<896x128xi32>
    %eq3A_118 = arith.cmpi eq, %iota3A_106, %eq3A_117 : vector<896x128xi32>
    %select_n3A_119 = arith.select %eq3A_118, %max3A_103, %max3A_101 : vector<896x128xi1>, vector<896x128xf32>
    %select_n3A_120 = arith.select %eq3A_118, %max3A_105, %max3A_103 : vector<896x128xi1>, vector<896x128xf32>
    %reduce_max3A_121 = arith.constant dense<0xFF800000> : vector<896xf32>
    %reduce_max3A_122 = vector.multi_reduction <maximumf>, %select_n3A_119, %reduce_max3A_121 [1] : vector<896x128xf32> to vector<896xf32>
    %broadcast_in_dim3A_123 = vector.shape_cast %reduce_max3A_122 : vector<896xf32> to vector<896x1xf32>
    %add3A_124 = arith.addf %add3A, %broadcast_in_dim3A_123 : vector<896x1xf32>
    %eq3A_125 = vector.broadcast %broadcast_in_dim3A_123 : vector<896x1xf32> to vector<896x128xf32>
    %eq3A_126 = arith.cmpf oeq, %select_n3A_119, %eq3A_125 : vector<896x128xf32>
    %jit3A_127 = arith.constant 128 : i32
    %broadcast_in_dim3A_128 = vector.broadcast %jit3A_127 : i32 to vector<896x128xi32>
    %select_n3A_129 = arith.select %eq3A_126, %iota3A_106, %broadcast_in_dim3A_128 : vector<896x128xi1>, vector<896x128xi32>
    %reduce_min3A_130 = arith.constant dense<2147483647> : vector<896xi32>
    %reduce_min3A_131 = vector.multi_reduction <minsi>, %select_n3A_129, %reduce_min3A_130 [1] : vector<896x128xi32> to vector<896xi32>
    %broadcast_in_dim3A_132 = vector.shape_cast %reduce_min3A_131 : vector<896xi32> to vector<896x1xi32>
    %eq3A_133 = vector.broadcast %broadcast_in_dim3A_132 : vector<896x1xi32> to vector<896x128xi32>
    %eq3A_134 = arith.cmpi eq, %iota3A_106, %eq3A_133 : vector<896x128xi32>
    %select_n3A_135 = arith.select %eq3A_134, %select_n3A_120, %select_n3A_119 : vector<896x128xi1>, vector<896x128xf32>
    %reduce_max3A_136 = arith.constant dense<0xFF800000> : vector<896xf32>
    %reduce_max3A_137 = vector.multi_reduction <maximumf>, %select_n3A_135, %reduce_max3A_136 [1] : vector<896x128xf32> to vector<896xf32>
    %broadcast_in_dim3A_138 = vector.shape_cast %reduce_max3A_137 : vector<896xf32> to vector<896x1xf32>
    %add3A_139 = arith.addf %add3A_124, %broadcast_in_dim3A_138 : vector<896x1xf32>
    %swap3A = arith.constant 0 : index
    %swap3A_140 = arith.constant 0 : index
    %swap3A_141 = vector.load %arg4[%swap3A, %swap3A_140] : memref<896x1xf32, #tpu.memory_space<vmem>>, vector<896x1xf32>
    tpu.vector_store %arg4[%swap3A, %swap3A_140], %add3A_139 {strides = array<i32>} : memref<896x1xf32, #tpu.memory_space<vmem>>, vector<896x1xf32>,
    return
  }
  func.func @transform_0(%arg0: i32, %arg1: i32) -> (i32, i32) {
    %c0_i32 = arith.constant 0 : i32
    %c0_i32_0 = arith.constant 0 : i32
    return %arg1, %c0_i32 : i32, i32
  }
  func.func @transform_1(%arg0: i32, %arg1: i32) -> (i32, i32, i32) {
    %c0_i32 = arith.constant 0 : i32
    %c0_i32_0 = arith.constant 0 : i32
    %c0_i32_1 = arith.constant 0 : i32
    return %arg0, %c0_i32, %c0_i32_0 : i32, i32, i32
  }
  func.func @transform_2(%arg0: i32, %arg1: i32) -> (i32, i32) {
    %mul3A = arith.constant 14 : i32
    %mul3A_0 = arith.muli %arg0, %mul3A : i32
    %add3A = arith.addi %mul3A_0, %arg1 : i32
    %c0_i32 = arith.constant 0 : i32
    %c0_i32_1 = arith.constant 0 : i32
    return %add3A, %c0_i32 : i32, i32
  }
}

</mosaic_0001>

<sc_bundles>
// kernel: kernel.4.cloned.1.call-start
scs
__scs_entry_jumppad:
0x0: {  	(pc) =	sbr.rel $0x88, $3  }
0x1: {  	(tag) =	ssettag $0x0;
	lr =	simm.s32 $0x1  }
0x2: {  	[smem:$0x3F9F] =	sst lr;
	_ =	strace $0xD0000000  }
0x3: {  	_ = 	snop  }
0x4: {  	_ = 	snop  }
0x5: {  	_ = 	snop  }
0x6: {  	_ = 	snop  }
0x7: {  	_ = 	snop  }
__scs_overlays_trampoline_lowered:
0x8: {  	[smem:$0x3FAE] =	sst s0  }
0x9: {  	[smem:$0x3FAF] =	sst s1  }
0xa: {  	[smem:$0x3FB0] =	sst s2  }
0xb: {  	[smem:$0x3FB1] =	sst s3  }
0xc: {  	[smem:$0x3FB2] =	sst s4  }
0xd: {  	[smem:$0x3FB3] =	sst s5  }
0xe: {  	[smem:$0x3FB4] =	sst s6  }
0xf: {  	[smem:$0x3FB5] =	sst s7  }
0x10: {  	[smem:$0x3FB6] =	sst s8  }
0x11: {  	[smem:$0x3FB7] =	sst s9;
	s0 =	simm.s32 @!p0 $0x0  }
0x12: {  	s1 =	sld [smem:$0x3F9D];
	s0 =	simm.s32 @p0 $0x1  }
0x13: {  	[smem:$0x3FB8] =	sst s0;
	s0 =	simm.s32 @!p1 $0x0  }
0x14: {  	s2 =	sld [smem:$0x3F9C];
	s0 =	simm.s32 @p1 $0x1  }
0x15: {  	[smem:$0x3FB9] =	sst s0;
	s0 =	simm.s32 @!p2 $0x0  }
0x16: {  	s3 =	sld [smem:$0x3FDB];
	s0 =	simm.s32 @p2 $0x1  }
0x17: {  	s4 =	simm.s32 $0x1BF5;
	[smem:$0x3FBB] =	sst s0  }
0x18: {  	s0 =	sld [smem:$0x3F9E];
	_ =	swait.ge [sflag:s4], $0x0  }
0x19: {  	s7 =	sld [smem:$0x3F9F]  }
0x1a: {  	s8 =	sadd.s32 $0xFFFFE003, lr  }
0x1b: {  	s9 =	sadd.s32 $0xFFFFFEF7, lr;
	s5 =	simm.s32 $0xFFFFFFFF;
	p2 =	slt.u32 s8, $0xFFFFF086  }
0x1c: {  	p1 =	slt.u32 s9, $0xF7A;
	s5 =	simm.s32 @!p2 $0x0  }
0x1d: {  	s5 =	simm.s32 @p1 $0x1;
	p0 =	seq.s32 s7, s2  }
0x1e: {  	s7 =	smul.u32 @!p0 $0xF7A, s2;
	p2 =	seq.s32 @!p0 s5, $0x0  }
0x1f: {  	s9 =	smul.u32 $0xF7A, s1;
	s8 =	simm.s32 @!p0 $0x1BF5;
	p2 =	por !p2, p0  }
0x20: {  	[sflag:s8] =	ssyncset.s32 @!p0 $0xFFFFF086;
	s6 =	sadd.s32 @!p0 s3, s7;
	s7 =	simm.s32 @!p0 $0x108  }
0x21: {  	s3 =	sadd.s32 s3, s9;
	s6 =	sadd.s32 @!p0 $0x88, s6;
	s7 =	simm.s32 @p2 $0x1082  }
0x22: {  	[simem:s7], [sflag:s8] =	dma.local @!p0 [hbm:s6], $0xF7A  }
0x23: {  	s9 =	sor.u32 $0xD0000000, s2;
	s6 =	simm.s32 $0x108;
	_ =	swait.ge @!p0 [sflag:s8], $0x0  }
0x24: {  	s3 =	sadd.s32 $0x88, s3;
	s6 =	simm.s32 @!p1 $0x1082;
	[sflag:s4] =	ssyncset.s32 $0xFFFFF086  }
0x25: {  	[simem:s6], [sflag:s4] =	dma.local [hbm:s3], $0xF7A  }
0x26: {  	[smem:$0x3F9F] =	sst s1;
	(tag) =	ssettag s2;
	_ =	strace s9  }
0x27: {  	s1 =	sld [smem:$0x3FAF]  }
0x28: {  	s2 =	sld [smem:$0x3FB0]  }
0x29: {  	s4 =	sld [smem:$0x3FB2]  }
0x2a: {  	p0 =	seq.s32 s5, $0x0;
	s5 =	sld [smem:$0x3FB3]  }
0x2b: {  	s6 =	sld [smem:$0x3FB4]  }
0x2c: {  	s7 =	sld [smem:$0x3FB5]  }
0x2d: {  	s3 =	simm.s32 $0x108;
	s8 =	sld [smem:$0x3FB6]  }
0x2e: {  	s3 =	simm.s32 @!p0 $0x1082;
	s9 =	sld [smem:$0x3FB7]  }
0x2f: {  	lr =	sadd.s32 s0, s3;
	s0 =	sld [smem:$0x3FAE]  }
0x30: {  	s3 =	sld [smem:$0x3FB1]  }
0x31: {  	[smem:$0x3FBA] =	sst s10  }
0x32: {  	s10 =	sld [smem:$0x3FB8];
	_ =	sdelay $0x3  }
0x33: {  	p0 =	seq.s32 s10, $0x1;
	s10 =	sld [smem:$0x3FBA];
	_ =	sdelay $0x3  }
0x34: {  	[smem:$0x3FBA] =	sst s10  }
0x35: {  	s10 =	sld [smem:$0x3FB9];
	_ =	sdelay $0x3  }
0x36: {  	p1 =	seq.s32 s10, $0x1;
	s10 =	sld [smem:$0x3FBA];
	_ =	sdelay $0x3  }
0x37: {  	[smem:$0x3FBA] =	sst s10  }
0x38: {  	s10 =	sld [smem:$0x3FBB]  }
0x39: {  	_ = 	snop;
	(pc) =	sbr.ind lr, $3  }
0x3a: {  	_ = 	snop  }
0x3b: {  	_ = 	snop  }
0x3c: {  	p2 =	seq.s32 s10, $0x1;
	s10 =	sld [smem:$0x3FBA]  }
0x3d: {  	_ =	shalt  }
0x3e: {  	_ =	shalt  }
0x3f: {  	_ =	shalt  }
0x40: {  	_ =	shalt  }
0x41: {  	_ =	shalt  }
0x42: {  	_ =	shalt  }
0x43: {  	_ =	shalt  }
0x44: {  	_ =	shalt  }
0x45: {  	_ =	shalt  }
0x46: {  	_ =	shalt  }
0x47: {  	_ =	shalt  }
0x48: {  	_ =	shalt  }
0x49: {  	_ =	shalt  }
0x4a: {  	_ =	shalt  }
0x4b: {  	_ =	shalt  }
0x4c: {  	_ =	shalt  }
0x4d: {  	_ =	shalt  }
0x4e: {  	_ =	shalt  }
0x4f: {  	_ =	shalt  }
0x50: {  	_ =	shalt  }
0x51: {  	_ =	shalt  }
0x52: {  	_ =	shalt  }
0x53: {  	_ =	shalt  }
0x54: {  	_ =	shalt  }
0x55: {  	_ =	shalt  }
0x56: {  	_ =	shalt  }
0x57: {  	_ =	shalt  }
0x58: {  	_ =	shalt  }
0x59: {  	_ =	shalt  }
0x5a: {  	_ =	shalt  }
0x5b: {  	_ =	shalt  }
0x5c: {  	_ =	shalt  }
0x5d: {  	_ =	shalt  }
0x5e: {  	_ =	shalt  }
0x5f: {  	_ =	shalt  }
0x60: {  	_ =	shalt  }
0x61: {  	_ =	shalt  }
0x62: {  	_ =	shalt  }
0x63: {  	_ =	shalt  }
0x64: {  	_ =	shalt  }
0x65: {  	_ =	shalt  }
0x66: {  	_ =	shalt  }
0x67: {  	_ =	shalt  }
0x68: {  	_ =	shalt  }
0x69: {  	_ =	shalt  }
0x6a: {  	_ =	shalt  }
0x6b: {  	_ =	shalt  }
0x6c: {  	_ =	shalt  }
0x6d: {  	_ =	shalt  }
0x6e: {  	_ =	shalt  }
0x6f: {  	_ =	shalt  }
0x70: {  	_ =	shalt  }
0x71: {  	_ =	shalt  }
0x72: {  	_ =	shalt  }
0x73: {  	_ =	shalt  }
0x74: {  	_ =	shalt  }
0x75: {  	_ =	shalt  }
0x76: {  	_ =	shalt  }
0x77: {  	_ =	shalt  }
0x78: {  	_ =	shalt  }
0x79: {  	_ =	shalt  }
0x7a: {  	_ =	shalt  }
0x7b: {  	_ =	shalt  }
0x7c: {  	_ =	shalt  }
0x7d: {  	_ =	shalt  }
0x7e: {  	_ =	shalt  }
0x7f: {  	_ =	shalt  }
0x80: {  	_ =	shalt  }
0x81: {  	_ =	shalt  }
0x82: {  	_ =	shalt  }
0x83: {  	_ =	shalt  }
0x84: {  	_ =	shalt  }
0x85: {  	_ =	shalt  }
0x86: {  	_ =	shalt  }
0x87: {  	_ =	shalt  }
.Lfunc_end0:
.L_simem_size_0:
called_computation_lowered:
.L_overlay_start_0:
0x88: {  	s2 =	sld [smem:$0x3FD9]  }
0x89: {  	s3 =	sld [smem:$0x3FFE];
	_ =	sdelay $0x1  }
0x8a: {  	s1 =	srdreg.scid  }
0x8b: {  	s0 =	sand.u32 $0x1, s1  }
0x8c: {  	s17 =	sshll.u32 s0, $0xA;
	s2 =	sadd.s32 s3, s2  }
0x8d: {  	s2 =	sadd.s32 s2, s17  }
0x8e: {  	[smem:$0x3FC6] =	sst s2  }
0x8f: {  	_ = 	snop  }
0x90: {  	s2 =	sld [smem:$0x3FD0];
	(tm) =	ssettm $0x1  }
0x91: {  	s18 =	sld [smem:$0x3FFB];
	_ =	sdelay $0x3  }
0x92: {  	_ =	strace s18  }
0x93: {  	s3 =	sld [smem:$0x3FFC];
	_ =	sdelay $0x3  }
0x94: {  	_ =	strace s3  }
0x95: {  	s3 =	sld [smem:$0x3FFD];
	_ =	sdelay $0x3  }
0x96: {  	_ =	strace s3  }
0x97: {  	_ =	strace $0x8FFFFFFF  }
0x98: {  	s19 =	sld [smem:$0x3FDB];
	_ =	sdelay $0x1  }
0x99: {  	s4 =	simm.s32 $_scs_section_size  }
0x9a: {  	s5 =	simm.s32 $_size__tile_overlayer_lowered;
	s6 =	simm.s32 $_tile_overlayer_lowered  }
0x9b: {  	s22 =	simm.s32 $0x1BFF;
	s21 =	sshll.u32 s6, $0x1;
	s3 =	sadd.s32 s4, s19  }
0x9c: {  	s7 =	simm.s32 $0x0;
	s20 =	sshll.u32 s5, $0x1;
	s5 =	sadd.s32 s21, s3  }
0x9d: {  	[timem:s7], [sflag:s22] =	dma.local [hbm:s5], s20  }
0x9e: {  	_ =	swait.ge [sflag:s22], s20  }
0x9f: {  	s4 =	ssub.s32 $0x0, s20;
	[sflag:s22] =	ssyncset.done $0x0  }
0xa0: {  	[sflag:s22] =	ssyncadd.s32 s4;
	_ =	sdelay $0x1  }
0xa1: {  	s23 =	simm.s32 $0x1B8B  }
0xa2: {  	_ =	swait.ge [sflag:s23], $0x1  }
0xa3: {  	[sflag:s23] =	ssyncset.done $0x0  }
0xa4: {  	s25 =	simm.s32 $0x1B8E;
	s24 =	sld [smem:$0x3FFE];
	[sflag:s23] =	ssyncadd.s32 $0xFFFFFFFF  }
0xa5: {  	s26 =	simm.s32 $execute0_lowered;
	[smem:$0x3FD2] =	sst s25  }
0xa6: {  	s5 =	sshll.u32 s26, $0x1;
	_ =	strace $0x80000046;
	[dreg:$0x1] =	wrdreg $0xFFFFFFFF  }
0xa7: {  	s28 =	simm.s32 $_size_execute0_lowered;
	s3 =	sadd.s32 s3, s5;
	[dreg:$0x0] =	wrdreg $0x0  }
0xa8: {  	s5 =	sshll.u32 s28, $0x1;
	[dreg:$0x2] =	wrdreg s3  }
0xa9: {  	[dreg:$0x3] =	wrdreg s5  }
0xaa: {  	[dreg:$0x4] =	wrdreg $0xC0  }
0xab: {  	_ =	task [dreg:s7], $0x5FFFF  }
0xac: {  	[dreg:$0x1] =	wrdreg $0xFFFFFFFF  }
0xad: {  	[dreg:$0x0] =	wrdreg $0x60  }
0xae: {  	[dreg:$0x2] =	wrdreg s2  }
0xaf: {  	[dreg:$0x3] =	wrdreg s24  }
0xb0: {  	[dreg:$0x4] =	wrdreg $0x9  }
0xb1: {  	_ =	task.clear_ibuf [dreg:s7], $0x5FFFF;
	_ =	strace $0x90000046  }
0xb2: {  	s29 =	simm.s32 $0x9;
	_ =	strace $0x80000048  }
0xb3: {  	_ =	swait.ge [sflag:s29], $0x1  }
0xb4: {  	[sflag:s29] =	ssyncadd.s32 $0xFFFFFFFF  }
0xb5: {  	_ =	strace $0x90000048  }
0xb6: {  	_ =	sfence  }
0xb7: {  	s30 =	sld [smem:$0x0];
	_ =	sdelay $0x2  }
0xb8: {  	s31 =	sshll.u32 s1, $0xD;
	s1 =	sshrl.u32 s1, $0x2  }
0xb9: {  	s3 =	sand.u32 $0x4000, s31;
	s1 =	sadd.s32 s1, s30  }
0xba: {  	s0 =	sor.u32 s3, s0;
	s1 =	sshll.u32 s1, $0x11  }
0xbb: {  	s0 =	sor.u32 s1, s0  }
0xbc: {  	s0 =	sadd.s32 $0x8F2B, s0  }
0xbd: {  	[sflag:s0] =	ssyncadd.remote.s32 $0x1  }
0xbe: {  	_ =	sfence.sel $0xFFFF  }
0xbf: {  	[dreg:$0x0] =	wrdreg $0xFFFFFFFF;
	(pc) =	sbr.abs _section_cstart, $3  }
0xc0: {  	[dreg:$0x1] =	wrdreg $0xFFFFFFFF  }
0xc1: {  	_ =	task.clear_ibuf [dreg:s7], $0x2FFFF;
	_ =	strace $0x9FFFFFFF  }
0xc2: {  	(tm) =	ssettm $0x7FFFFFFF  }
0xc3: {  	_ =	shalt  }
tec
execute0_lowered:
.L_overlay_start_1:
0x0: {  	(tag) =	ssettag $0x1  }
0x1: {  	s1 =	srdreg.scid;
	s0 =	stileid.u32  }
0x2: {  	s2 =	rddreg [dreg:$0x0];
	s6 =	sand.u32 $0x1, s1;
	s30 =	sshll.u32 s0, $0x1  }
0x3: {  	s8 =	rddreg [dreg:$0x1];
	s3 =	simm.s32 $0x0;
	s7 =	sor.u32 s6, s30  }
0x4: {  	[smem:$0x7FF] =	sst s3;
	s4 =	smul.u32 $0x5, s7  }
0x5: {  	s1 =	rddreg [dreg:$0x2];
	_ =	strace $0x80000047;
	s10 =	ssub.s32 $0x2, s6  }
0x6: {  	s6 =	simm.s32 $0x28;
	s5 =	sadd.s32 s8, s4;
	s4 =	simm.s32 $0x2  }
0x7: {  	[tilespmem:s3], [sflag:$0x2] =	stream.linear.gather [hbm4b:s5+s3], $0x28, $0x38;
	[tilespmem:$0xA28] =	vst v63  }
0x8: {  	s9 =	smul.u32 $0x140, s7;
	s11 =	sshrl.u32 s10, $0x1;
	_ =	swait.ge [sflag:s4], $0x28  }
0x9: {  	s7 =	simm.s32 $0x1;
	s31 =	ssub.s32 s10, s11;
	[sflag:s4] =	ssyncset.done $0x0  }
0xa: {  	s8 =	sadd.s32 s9, s8;
	s9 =	smax.u32 s31, $0x1;
	[sflag:s4] =	ssyncadd.s32 $0xFFFFFFD8  }
0xb: {  	[tilespmem:s6], [sflag:$0x1] =	stream.indirect.gather [hbm4b:s2+s6], $0x40, s3, s6, $0xb8;
	[tilespmem:$0xA28] =	vst v63  }
0xc: {  	p0 =	sne.s32 s9, $0x1;
	_ =	swait.ge [sflag:s7], $0xA00  }
.Ltmp0:
0xd: {  	[sflag:s7] =	ssyncset.done $0x0;
	(pc) =	sbr.rel @!p0 .LBB2_2-.Ltmp0, $4  }
0xe: {  	s8 =	sadd.s32 $0x200, s8;
	[sflag:s7] =	ssyncadd.s32 $0xFFFFF600  }
0xf: {  	[hbm4b:s8+s3] =	stream.linear.scatter [tilespmem:s6], [sflag:$0x2], $0xA00, $0x38;
	[tilespmem:$0xA28] =	vst v63  }
0x10: {  	_ =	swait.ge [sflag:s4], $0xA00  }
0x11: {  	s9 =	sadd.s32 $0xFFFFFFFF, s9;
	[sflag:s4] =	ssyncset.done $0x0  }
.LBB2_1:
0x12: {  	p0 =	sne.s32 s9, $0x1;
	s9 =	sadd.s32 $0xFFFFFFFF, s9;
	[sflag:s4] =	ssyncadd.s32 $0xFFFFF600  }
0x13: {  	[tilespmem:s3], [sflag:$0x2] =	stream.linear.gather [hbm4b:s5+s3], $0x28, $0x38;
	[tilespmem:$0xA28] =	vst v63  }
0x14: {  	_ =	swait.ge [sflag:s4], $0x28  }
0x15: {  	[sflag:s4] =	ssyncset.done $0x0  }
0x16: {  	[sflag:s4] =	ssyncadd.s32 $0xFFFFFFD8  }
0x17: {  	[tilespmem:s6], [sflag:$0x1] =	stream.indirect.gather [hbm4b:s2+s6], $0x40, s3, s6, $0xb8;
	[tilespmem:$0xA28] =	vst v63  }
0x18: {  	_ =	swait.ge [sflag:s7], $0xA00  }
.Ltmp1:
0x19: {  	[sflag:s7] =	ssyncset.done $0x0;
	(pc) =	sbr.rel @p0 .LBB2_1-.Ltmp1, $4  }
0x1a: {  	[sflag:s7] =	ssyncadd.s32 $0xFFFFF600  }
0x1b: {  	[hbm4b:s8+s3] =	stream.linear.scatter [tilespmem:s6], [sflag:$0x2], $0xA00, $0x38;
	[tilespmem:$0xA28] =	vst v63  }
0x1c: {  	_ =	swait.ge [sflag:s4], $0xA00  }
0x1d: {  	[sflag:s4] =	ssyncset.done $0x0  }
.LBB2_2:
0x1e: {  	[sflag:s4] =	ssyncadd.s32 $0xFFFFF600  }
0x1f: {  	_ =	sfence.sel $0x180000  }
0x20: {  	[bflag:$0x0] =	sbarrier.arrive $0xFFFF  }
0x21: {  	p0 =	sne.s32 s0, $0x0;
	_ =	strace $0x90000047  }
0x22: {  	s0 =	sadd.s32 @!p0 $0x100000, s1;
	[bflag:$0x2] =	sbarrier.arrive $0xFFFF  }
0x23: {  	[sflag:s0] =	ssyncadd.tile.s32 @!p0 $0x1;
	_ =	shalt  }
.Lfunc_end2:
_tile_overlayer_lowered:
.L_overlay_start_2:
0x24: {  	(tag) =	ssettag $0x2  }
0x25: {  	s0 =	rddreg [dreg:$0x0];
	s2 =	stileid.u32  }
0x26: {  	s1 =	rddreg [dreg:$0x1];
	p0 =	sne.s32 s2, $0x0  }
0x27: {  	s3 =	rddreg [dreg:$0x2];
	[bflag:$0x3] =	sbarrier.arrive $0xFFFF;
	s2 =	simm.s32 @!p0 $0x1C02  }
0x28: {  	[timem:s3], [sflag:s2] =	dma.local @!p0 [hbm:s0], s1  }
0x29: {  	s0 =	simm.s32 @!p0 $0x2  }
0x2a: {  	_ =	swait.ge @!p0 [sflag:s0], s1  }
0x2b: {  	s1 =	ssub.s32 @!p0 $0x0, s1;
	[sflag:s0] =	ssyncset.done @!p0 $0x0  }
0x2c: {  	[sflag:s0] =	ssyncadd.s32 @!p0 s1  }
0x2d: {  	[bflag:$0x3] =	sbarrier.arrive $0xFFFF  }
0x2e: {  	_ =	shalt  }

</sc_bundles>
